<compile_context>
chip_gen: v7x
topology: tpu7x:2x2x1
jax: 0.10.2.dev20260603
libtpu: 0.0.44.dev20260713+nightly
codegen_flags: <defaults>
</compile_context>

<pallas_src>
import functools

import jax
import jax.numpy as jnp
from jax import lax
from jax.experimental import pallas as pl
from jax.experimental.pallas import tpu as pltpu
from jax.experimental.pallas import tpu_sc as plsc

N_EMB = 8192
DIM = 32
BM = 512
BK = 8192

NC = 2
NS = 16
NW = NC * NS
ROWS_PER_W = N_EMB // NW
HIST_SLICE = N_EMB // NS


def _argmin_body(z_ref, cb_ref, idx_ref, sum_ref, best_ref):
    i = pl.program_id(0)
    j = pl.program_id(1)
    nj = pl.num_programs(1)

    zb = z_ref[...]
    cbn = cb_ref[...]
    a = jnp.sum(zb * zb, axis=1, keepdims=True)
    b = jnp.sum(cbn * cbn, axis=1) * 0.25
    m = jax.lax.dot_general(zb, cbn, (((1,), (1,)), ((), ())))
    d = (a + b[None, :]) + m

    cmin = jnp.min(d, axis=1, keepdims=True)
    cols = jax.lax.broadcasted_iota(jnp.int32, (BM, BK), 1)
    cand = jnp.min(jnp.where(d == cmin, cols, jnp.int32(2**30)),
                   axis=1, keepdims=True) + j * BK

    @pl.when(j == 0)
    def _():
        best_ref[...] = cmin
        idx_ref[...] = cand

    @pl.when(j > 0)
    def _():
        upd = cmin < best_ref[...]
        best_ref[...] = jnp.where(upd, cmin, best_ref[...])
        idx_ref[...] = jnp.where(upd, cand, idx_ref[...])

    @pl.when(jnp.logical_and(i == 0, j == 0))
    def _():
        sum_ref[0, 0] = 0.0

    @pl.when(j == nj - 1)
    def _():
        sum_ref[0, 0] += jnp.sum(best_ref[...])


def _argmin_call(z_flat, codebook):
    ni = z_flat.shape[0] // BM
    nj = N_EMB // BK
    return pl.pallas_call(
        _argmin_body,
        grid=(ni, nj),
        in_specs=[
            pl.BlockSpec((BM, DIM), lambda i, j: (i, 0)),
            pl.BlockSpec((BK, DIM), lambda i, j: (j, 0)),
        ],
        out_specs=[
            pl.BlockSpec((BM, 1), lambda i, j: (i, 0)),
            pl.BlockSpec(memory_space=pltpu.SMEM),
        ],
        out_shape=[
            jax.ShapeDtypeStruct((z_flat.shape[0], 1), jnp.int32),
            jax.ShapeDtypeStruct((1, 1), jnp.float32),
        ],
        scratch_shapes=[pltpu.VMEM((BM, 1), jnp.float32)],
    )(z_flat, codebook)


def _sc_gather_call(codebook, idx, z_flat):
    mesh = plsc.VectorSubcoreMesh(core_axis_name="c", subcore_axis_name="s")

    @functools.partial(
        pl.kernel,
        mesh=mesh,
        compiler_params=pltpu.CompilerParams(use_tc_tiling_on_sc=False),
        out_type=[
            jax.ShapeDtypeStruct((N_EMB, DIM), jnp.float32),
            jax.ShapeDtypeStruct((NC, N_EMB), jnp.float32),
        ],
        scratch_types=[
            pltpu.VMEM((ROWS_PER_W,), jnp.int32),
            pltpu.VMEM((ROWS_PER_W, DIM), jnp.float32),
            pltpu.VMEM((ROWS_PER_W, DIM), jnp.float32),
            pltpu.VMEM((ROWS_PER_W,), jnp.float32),
            pltpu.VMEM((HIST_SLICE,), jnp.float32),
            pltpu.VMEM_SHARED((N_EMB,), jnp.float32),
            pltpu.SemaphoreType.DMA,
        ],
    )
    def k(cb_hbm, idx_hbm, z_hbm, qst_hbm, hist_hbm,
          idx_v, rows_v, z_v, ones_v, zeros_v, hist_sh, sem):
        cid = lax.axis_index("c")
        sid = lax.axis_index("s")
        wid = sid * NC + cid
        base = wid * ROWS_PER_W

        pltpu.sync_copy(idx_hbm.at[pl.ds(base, ROWS_PER_W)], idx_v)
        pltpu.async_copy(cb_hbm.at[idx_v], rows_v, sem).wait()
        pltpu.sync_copy(z_hbm.at[pl.ds(base, ROWS_PER_W)], z_v)

        @pl.loop(0, ROWS_PER_W // 16)
        def _(t):
            ones_v[pl.ds(t * 16, 16)] = jnp.full((16,), 1.0, jnp.float32)

        @pl.loop(0, HIST_SLICE // 16)
        def _(t):
            zeros_v[pl.ds(t * 16, 16)] = jnp.zeros((16,), jnp.float32)

        pltpu.sync_copy(zeros_v, hist_sh.at[pl.ds(sid * HIST_SLICE,
                                                  HIST_SLICE)])
        plsc.subcore_barrier()
        pltpu.sync_copy(ones_v, hist_sh.at[idx_v], add=True)

        @pl.loop(0, ROWS_PER_W)
        def _(r):
            for h in range(DIM // 16):
                sl = pl.ds(h * 16, 16)
                q = rows_v[r, sl]
                zz = z_v[r, sl]
                rows_v[r, sl] = zz + (q - zz)

        pltpu.sync_copy(rows_v, qst_hbm.at[pl.ds(base, ROWS_PER_W)])

        plsc.subcore_barrier()

        @pl.when(sid == 0)
        def _():
            pltpu.sync_copy(hist_sh, hist_hbm.at[cid])

    return k(codebook, idx, z_flat)


def _finalize_body(hist_ref, dsum_ref, loss_ref, perp_ref):
    counts = hist_ref[0, :] + hist_ref[1, :]
    p = counts * jnp.float32(1.0 / N_EMB)
    ent = jnp.sum(p * jnp.log(p + jnp.float32(1e-10)))
    perp_ref[0, 0] = jnp.exp(-ent)
    loss_ref[0, 0] = dsum_ref[0, 0] * jnp.float32(1.25 / (N_EMB * DIM))


def _finalize_call(hist, dsum):
    return pl.pallas_call(
        _finalize_body,
        in_specs=[
            pl.BlockSpec((NC, N_EMB), lambda: (0, 0)),
            pl.BlockSpec(memory_space=pltpu.SMEM),
        ],
        out_specs=[
            pl.BlockSpec(memory_space=pltpu.SMEM),
            pl.BlockSpec(memory_space=pltpu.SMEM),
        ],
        out_shape=[
            jax.ShapeDtypeStruct((1, 1), jnp.float32),
            jax.ShapeDtypeStruct((1, 1), jnp.float32),
        ],
    )(hist, dsum)


def kernel(z, codebook):
    B, C, H, W = z.shape
    z_flat = jnp.transpose(z, (0, 2, 3, 1)).reshape(-1, DIM)
    idx2, dsum = _argmin_call(z_flat, codebook * jnp.float32(-2.0))
    idx = idx2.reshape(-1)
    q_st_flat, hist = _sc_gather_call(codebook, idx, z_flat)
    loss2, perp2 = _finalize_call(hist, dsum)
    quantized_st = jnp.transpose(q_st_flat.reshape(B, H, W, C), (0, 3, 1, 2))
    return (quantized_st, loss2[0, 0], perp2[0, 0])

# --- scband reference (transcript-rebuilt; emitter-appended) ---
"""Pipeline reference for scband-vector-quantizer-584115552574 (READ-ONLY COPY).

The authoritative reference and input builder live on the scoring server;
editing this copy changes nothing except your own understanding.
"""

import jax, jax.numpy as jnp
import numpy as np

NUM_EMBEDDINGS = 8192
EMBEDDING_DIM = 32
COMMITMENT_COST = 0.25

def setup_inputs(seed: int = 0) -> dict:
    key = jax.random.key(seed)
    kz, kc = jax.random.split(key)
    z = jax.random.normal(kz, (8, 32, 32, 32), dtype=jnp.float32)
    codebook = jax.random.uniform(kc, (NUM_EMBEDDINGS, EMBEDDING_DIM), dtype=jnp.float32,
                                  minval=-1.0 / NUM_EMBEDDINGS, maxval=1.0 / NUM_EMBEDDINGS)
    return {"z": z, "codebook": codebook}

def reference(z, codebook):
    B, C, H, W = z.shape
    z_flat = jnp.transpose(z, (0, 2, 3, 1)).reshape(-1, EMBEDDING_DIM)
    distances = (jnp.sum(z_flat ** 2, axis=1, keepdims=True)
                 + jnp.sum(codebook ** 2, axis=1)
                 - 2.0 * jnp.matmul(z_flat, codebook.T))
    encoding_indices = jnp.argmin(distances, axis=1)
    encodings = jax.nn.one_hot(encoding_indices, NUM_EMBEDDINGS, dtype=jnp.float32)
    quantized = jnp.matmul(encodings, codebook)
    quantized = quantized.reshape(B, H, W, EMBEDDING_DIM)
    quantized = jnp.transpose(quantized, (0, 3, 1, 2))
    e_latent_loss = jnp.mean((jax.lax.stop_gradient(quantized) - z) ** 2)
    q_latent_loss = jnp.mean((quantized - jax.lax.stop_gradient(z)) ** 2)
    loss = q_latent_loss + COMMITMENT_COST * e_latent_loss
    quantized_st = z + jax.lax.stop_gradient(quantized - z)
    avg_probs = jnp.mean(encodings, axis=0)
    perplexity = jnp.exp(-jnp.sum(avg_probs * jnp.log(avg_probs + 1e-10)))
    return (quantized_st, loss, perplexity)

if __name__ == "__main__":
    import jax
    _d = setup_inputs()
    print(jax.jit(kernel)(*tuple(_d.values())))

</pallas_src>

<mosaic_0001>
#map = affine_map<(d0, d1) -> (0, 0)>
#map1 = affine_map<(d0, d1) -> (0)>
module attributes {stable_mosaic.version = 14 : i64} {
  func.func @k(%arg0: i32, %arg1: i32, %arg2: memref<8192x32xf32, #tpu.memory_space<hbm>>, %arg3: memref<8192xi32, #tpu.memory_space<hbm>>, %arg4: memref<8192x32xf32, #tpu.memory_space<hbm>>, %arg5: memref<8192x32xf32, #tpu.memory_space<hbm>>, %arg6: memref<2x8192xf32, #tpu.memory_space<hbm>>, %arg7: memref<256xi32, #tpu.memory_space<vmem>>, %arg8: memref<256x32xf32, #tpu.memory_space<vmem>>, %arg9: memref<256x32xf32, #tpu.memory_space<vmem>>, %arg10: memref<256xf32, #tpu.memory_space<vmem>>, %arg11: memref<512xf32, #tpu.memory_space<vmem>>, %arg12: memref<8192xf32, #tpu.memory_space<vmem_shared>>, %arg13: memref<!tpu.dma_semaphore, #tpu.memory_space<semaphore_mem>>) attributes {dimension_semantics = [#tpu.dimension_semantics<core_parallel>, #tpu.dimension_semantics<subcore_parallel>], iteration_bounds = array<i64: 2, 16>, scalar_prefetch = 0 : i64, scratch_operands = 7 : i64, tpu.core_type = #tpu.core_type<sc_vector_subcore>, window_params = [{transform_indices = #map}, {transform_indices = #map1}, {transform_indices = #map}, {transform_indices = #map}, {transform_indices = #map}]} {
    %mul3A = arith.constant 2 : i32
    %mul3A_0 = arith.muli %arg1, %mul3A : i32
    %add3A = arith.addi %mul3A_0, %arg0 : i32
    %mul3A_1 = arith.constant 256 : i32
    %mul3A_2 = arith.muli %add3A, %mul3A_1 : i32
    "tpu.region"() ({
      %run_scoped3A = tpu.sem_alloc : memref<!tpu.dma_semaphore, #tpu.memory_space<semaphore_mem>>
      %dma_start3A_26 = tpu.memref_slice %arg3[%mul3A_2] : memref<8192xi32, #tpu.memory_space<hbm>> -> memref<256xi32, #tpu.memory_space<hbm>>
      %dma_start3A_27 = tpu.memref_slice %arg3[%mul3A_2] : memref<8192xi32, #tpu.memory_space<hbm>> -> memref<256xi32, #tpu.memory_space<hbm>>
      tpu.enqueue_dma source(%dma_start3A_27 : memref<256xi32, #tpu.memory_space<hbm>>) target(%arg7 : memref<256xi32, #tpu.memory_space<vmem>>) target_semaphore(%run_scoped3A : memref<!tpu.dma_semaphore, #tpu.memory_space<semaphore_mem>>)
      %dma_wait3A_28 = tpu.memref_slice %arg3[%mul3A_2] : memref<8192xi32, #tpu.memory_space<hbm>> -> memref<256xi32, #tpu.memory_space<hbm>>
      %dma_wait3A_29 = tpu.memref_slice %arg3[%mul3A_2] : memref<8192xi32, #tpu.memory_space<hbm>> -> memref<256xi32, #tpu.memory_space<hbm>>
      tpu.wait_dma2 semaphore(%run_scoped3A : memref<!tpu.dma_semaphore, #tpu.memory_space<semaphore_mem>>) src(%dma_wait3A_29 : memref<256xi32, #tpu.memory_space<hbm>>) dst(%arg7 : memref<256xi32, #tpu.memory_space<vmem>>)
      tpu.yield
    }) : () -> ()
    %dma_start3A = arith.constant 0 : i32
    %dma_start3A_3 = arith.constant 0 : i32
    %dma_start3A_4 = tpu.memref_slice %arg2[%dma_start3A, %dma_start3A_3] : memref<8192x32xf32, #tpu.memory_space<hbm>> -> memref<8192x32xf32, #tpu.memory_space<hbm>>
    tpu.enqueue_indirect_dma source(%dma_start3A_4 : memref<8192x32xf32, #tpu.memory_space<hbm>>) target(%arg8 : memref<256x32xf32, #tpu.memory_space<vmem>>) offsets(%arg7 : memref<256xi32, #tpu.memory_space<vmem>>) semaphore(%arg13 : memref<!tpu.dma_semaphore, #tpu.memory_space<semaphore_mem>>)
    %dma_wait3A = arith.constant 0 : i32
    %dma_wait3A_5 = arith.constant 0 : i32
    %dma_wait3A_6 = tpu.memref_slice %arg2[%dma_wait3A, %dma_wait3A_5] : memref<8192x32xf32, #tpu.memory_space<hbm>> -> memref<8192x32xf32, #tpu.memory_space<hbm>>
    tpu.wait_indirect_dma semaphore(%arg13 : memref<!tpu.dma_semaphore, #tpu.memory_space<semaphore_mem>>) src(%dma_wait3A_6 : memref<8192x32xf32, #tpu.memory_space<hbm>>) dst(%arg8 : memref<256x32xf32, #tpu.memory_space<vmem>>)
    "tpu.region"() ({
      %run_scoped3A = tpu.sem_alloc : memref<!tpu.dma_semaphore, #tpu.memory_space<semaphore_mem>>
      %dma_start3A_26 = arith.constant 0 : i32
      %dma_start3A_27 = tpu.memref_slice %arg4[%mul3A_2, %dma_start3A_26] : memref<8192x32xf32, #tpu.memory_space<hbm>> -> memref<256x32xf32, #tpu.memory_space<hbm>>
      %dma_start3A_28 = arith.constant 0 : i32
      %dma_start3A_29 = tpu.memref_slice %arg4[%mul3A_2, %dma_start3A_28] : memref<8192x32xf32, #tpu.memory_space<hbm>> -> memref<256x32xf32, #tpu.memory_space<hbm>>
      tpu.enqueue_dma source(%dma_start3A_29 : memref<256x32xf32, #tpu.memory_space<hbm>>) target(%arg9 : memref<256x32xf32, #tpu.memory_space<vmem>>) target_semaphore(%run_scoped3A : memref<!tpu.dma_semaphore, #tpu.memory_space<semaphore_mem>>)
      %dma_wait3A_30 = arith.constant 0 : i32
      %dma_wait3A_31 = tpu.memref_slice %arg4[%mul3A_2, %dma_wait3A_30] : memref<8192x32xf32, #tpu.memory_space<hbm>> -> memref<256x32xf32, #tpu.memory_space<hbm>>
      %dma_wait3A_32 = arith.constant 0 : i32
      %dma_wait3A_33 = tpu.memref_slice %arg4[%mul3A_2, %dma_wait3A_32] : memref<8192x32xf32, #tpu.memory_space<hbm>> -> memref<256x32xf32, #tpu.memory_space<hbm>>
      tpu.wait_dma2 semaphore(%run_scoped3A : memref<!tpu.dma_semaphore, #tpu.memory_space<semaphore_mem>>) src(%dma_wait3A_33 : memref<256x32xf32, #tpu.memory_space<hbm>>) dst(%arg9 : memref<256x32xf32, #tpu.memory_space<vmem>>)
      tpu.yield
    }) : () -> ()
    %scan3A = arith.constant 0 : i32
    %scan3A_7 = arith.constant 16 : i32
    %scan3A_8 = arith.addi %scan3A, %scan3A_7 : i32
    %scan3A_9 = arith.constant 1 : i32
    scf.for %scan3A_26 = %scan3A to %scan3A_8 step %scan3A_9  : i32 {
      %mul3A_27 = arith.constant 1 : i32
      %mul3A_28 = arith.muli %scan3A_26, %mul3A_27 : i32
      %add3A_29 = arith.constant 0 : i32
      %add3A_30 = arith.addi %add3A_29, %mul3A_28 : i32
      %broadcast_in_dim3A = arith.constant 1.000000e+00 : f32
      %broadcast_in_dim3A_31 = vector.broadcast %broadcast_in_dim3A : f32 to vector<16xf32>
      %mul3A_32 = arith.constant 16 : i32
      %mul3A_33 = arith.muli %add3A_30, %mul3A_32 : i32
      %swap3A = arith.index_cast %mul3A_33 : i32 to index
      %swap3A_34 = tpu.vector_load %arg10[%swap3A] {strides = array<i32>} : memref<256xf32, #tpu.memory_space<vmem>>, vector<16xf32>,
      %swap3A_35 = vector.shape_cast %swap3A_34 : vector<16xf32> to vector<16xf32>
      %swap3A_36 = vector.shape_cast %broadcast_in_dim3A_31 : vector<16xf32> to vector<16xf32>
      tpu.vector_store %arg10[%swap3A], %swap3A_36 {strides = array<i32>} : memref<256xf32, #tpu.memory_space<vmem>>, vector<16xf32>,
    }
    %scan3A_10 = arith.constant 16 : i32
    %scan3A_11 = arith.constant 0 : i32
    %scan3A_12 = arith.constant 32 : i32
    %scan3A_13 = arith.addi %scan3A_11, %scan3A_12 : i32
    %scan3A_14 = arith.constant 1 : i32
    scf.for %scan3A_26 = %scan3A_11 to %scan3A_13 step %scan3A_14  : i32 {
      %mul3A_27 = arith.constant 1 : i32
      %mul3A_28 = arith.muli %scan3A_26, %mul3A_27 : i32
      %add3A_29 = arith.constant 0 : i32
      %add3A_30 = arith.addi %add3A_29, %mul3A_28 : i32
      %broadcast_in_dim3A = arith.constant 0.000000e+00 : f32
      %broadcast_in_dim3A_31 = vector.broadcast %broadcast_in_dim3A : f32 to vector<16xf32>
      %mul3A_32 = arith.constant 16 : i32
      %mul3A_33 = arith.muli %add3A_30, %mul3A_32 : i32
      %swap3A = arith.index_cast %mul3A_33 : i32 to index
      %swap3A_34 = tpu.vector_load %arg11[%swap3A] {strides = array<i32>} : memref<512xf32, #tpu.memory_space<vmem>>, vector<16xf32>,
      %swap3A_35 = vector.shape_cast %swap3A_34 : vector<16xf32> to vector<16xf32>
      %swap3A_36 = vector.shape_cast %broadcast_in_dim3A_31 : vector<16xf32> to vector<16xf32>
      tpu.vector_store %arg11[%swap3A], %swap3A_36 {strides = array<i32>} : memref<512xf32, #tpu.memory_space<vmem>>, vector<16xf32>,
    }
    %scan3A_15 = arith.constant 32 : i32
    %mul3A_16 = arith.constant 512 : i32
    %mul3A_17 = arith.muli %arg1, %mul3A_16 : i32
    "tpu.region"() ({
      %run_scoped3A = tpu.sem_alloc : memref<!tpu.dma_semaphore, #tpu.memory_space<semaphore_mem>>
      %dma_start3A_26 = tpu.memref_slice %arg12[%mul3A_17] : memref<8192xf32, #tpu.memory_space<vmem_shared>> -> memref<512xf32, #tpu.memory_space<vmem_shared>>
      %dma_start3A_27 = tpu.memref_slice %arg12[%mul3A_17] : memref<8192xf32, #tpu.memory_space<vmem_shared>> -> memref<512xf32, #tpu.memory_space<vmem_shared>>
      tpu.enqueue_dma source(%arg11 : memref<512xf32, #tpu.memory_space<vmem>>) target(%dma_start3A_27 : memref<512xf32, #tpu.memory_space<vmem_shared>>) target_semaphore(%run_scoped3A : memref<!tpu.dma_semaphore, #tpu.memory_space<semaphore_mem>>)
      %dma_wait3A_28 = tpu.memref_slice %arg12[%mul3A_17] : memref<8192xf32, #tpu.memory_space<vmem_shared>> -> memref<512xf32, #tpu.memory_space<vmem_shared>>
      %dma_wait3A_29 = tpu.memref_slice %arg12[%mul3A_17] : memref<8192xf32, #tpu.memory_space<vmem_shared>> -> memref<512xf32, #tpu.memory_space<vmem_shared>>
      tpu.wait_dma2 semaphore(%run_scoped3A : memref<!tpu.dma_semaphore, #tpu.memory_space<semaphore_mem>>) src(%arg11 : memref<512xf32, #tpu.memory_space<vmem>>) dst(%dma_wait3A_29 : memref<512xf32, #tpu.memory_space<vmem_shared>>)
      tpu.yield
    }) : () -> ()
    %barrier3A = arith.constant 0 : index
    tpu.barrier barrier_id(%barrier3A)
    "tpu.region"() ({
      %run_scoped3A = tpu.sem_alloc : memref<!tpu.dma_semaphore, #tpu.memory_space<semaphore_mem>>
      %dma_start3A_26 = arith.constant 0 : i32
      %dma_start3A_27 = tpu.memref_slice %arg12[%dma_start3A_26] : memref<8192xf32, #tpu.memory_space<vmem_shared>> -> memref<8192xf32, #tpu.memory_space<vmem_shared>>
      tpu.enqueue_indirect_dma source(%arg10 : memref<256xf32, #tpu.memory_space<vmem>>) target(%dma_start3A_27 : memref<8192xf32, #tpu.memory_space<vmem_shared>>) offsets(%arg7 : memref<256xi32, #tpu.memory_space<vmem>>) semaphore(%run_scoped3A : memref<!tpu.dma_semaphore, #tpu.memory_space<semaphore_mem>>) {add = true}
      %dma_wait3A_28 = arith.constant 0 : i32
      %dma_wait3A_29 = tpu.memref_slice %arg12[%dma_wait3A_28] : memref<8192xf32, #tpu.memory_space<vmem_shared>> -> memref<8192xf32, #tpu.memory_space<vmem_shared>>
      tpu.wait_indirect_dma semaphore(%run_scoped3A : memref<!tpu.dma_semaphore, #tpu.memory_space<semaphore_mem>>) src(%arg10 : memref<256xf32, #tpu.memory_space<vmem>>) dst(%dma_wait3A_29 : memref<8192xf32, #tpu.memory_space<vmem_shared>>)
      tpu.yield
    }) : () -> ()
    %scan3A_18 = arith.constant 0 : i32
    %scan3A_19 = arith.constant 256 : i32
    %scan3A_20 = arith.addi %scan3A_18, %scan3A_19 : i32
    %scan3A_21 = arith.constant 1 : i32
    scf.for %scan3A_26 = %scan3A_18 to %scan3A_20 step %scan3A_21  : i32 {
      %mul3A_27 = arith.constant 1 : i32
      %mul3A_28 = arith.muli %scan3A_26, %mul3A_27 : i32
      %add3A_29 = arith.constant 0 : i32
      %add3A_30 = arith.addi %add3A_29, %mul3A_28 : i32
      %get3A = arith.index_cast %add3A_30 : i32 to index
      %get3A_31 = arith.constant 0 : index
      %get3A_32 = tpu.vector_load %arg8[%get3A, %get3A_31] {strides = array<i32>} : memref<256x32xf32, #tpu.memory_space<vmem>>, vector<1x16xf32>,
      %get3A_33 = vector.shape_cast %get3A_32 : vector<1x16xf32> to vector<16xf32>
      %get3A_34 = arith.index_cast %add3A_30 : i32 to index
      %get3A_35 = arith.constant 0 : index
      %get3A_36 = tpu.vector_load %arg9[%get3A_34, %get3A_35] {strides = array<i32>} : memref<256x32xf32, #tpu.memory_space<vmem>>, vector<1x16xf32>,
      %get3A_37 = vector.shape_cast %get3A_36 : vector<1x16xf32> to vector<16xf32>
      %sub3A = arith.subf %get3A_33, %get3A_37 : vector<16xf32>
      %add3A_38 = arith.addf %get3A_37, %sub3A : vector<16xf32>
      %swap3A = arith.index_cast %add3A_30 : i32 to index
      %swap3A_39 = arith.constant 0 : index
      %swap3A_40 = tpu.vector_load %arg8[%swap3A, %swap3A_39] {strides = array<i32>} : memref<256x32xf32, #tpu.memory_space<vmem>>, vector<1x16xf32>,
      %swap3A_41 = vector.shape_cast %swap3A_40 : vector<1x16xf32> to vector<16xf32>
      %swap3A_42 = vector.shape_cast %add3A_38 : vector<16xf32> to vector<1x16xf32>
      tpu.vector_store %arg8[%swap3A, %swap3A_39], %swap3A_42 {strides = array<i32>} : memref<256x32xf32, #tpu.memory_space<vmem>>, vector<1x16xf32>,
      %get3A_43 = arith.index_cast %add3A_30 : i32 to index
      %get3A_44 = arith.constant 16 : index
      %get3A_45 = tpu.vector_load %arg8[%get3A_43, %get3A_44] {strides = array<i32>} : memref<256x32xf32, #tpu.memory_space<vmem>>, vector<1x16xf32>,
      %get3A_46 = vector.shape_cast %get3A_45 : vector<1x16xf32> to vector<16xf32>
      %get3A_47 = arith.index_cast %add3A_30 : i32 to index
      %get3A_48 = arith.constant 16 : index
      %get3A_49 = tpu.vector_load %arg9[%get3A_47, %get3A_48] {strides = array<i32>} : memref<256x32xf32, #tpu.memory_space<vmem>>, vector<1x16xf32>,
      %get3A_50 = vector.shape_cast %get3A_49 : vector<1x16xf32> to vector<16xf32>
      %sub3A_51 = arith.subf %get3A_46, %get3A_50 : vector<16xf32>
      %add3A_52 = arith.addf %get3A_50, %sub3A_51 : vector<16xf32>
      %swap3A_53 = arith.index_cast %add3A_30 : i32 to index
      %swap3A_54 = arith.constant 16 : index
      %swap3A_55 = tpu.vector_load %arg8[%swap3A_53, %swap3A_54] {strides = array<i32>} : memref<256x32xf32, #tpu.memory_space<vmem>>, vector<1x16xf32>,
      %swap3A_56 = vector.shape_cast %swap3A_55 : vector<1x16xf32> to vector<16xf32>
      %swap3A_57 = vector.shape_cast %add3A_52 : vector<16xf32> to vector<1x16xf32>
      tpu.vector_store %arg8[%swap3A_53, %swap3A_54], %swap3A_57 {strides = array<i32>} : memref<256x32xf32, #tpu.memory_space<vmem>>, vector<1x16xf32>,
    }
    %scan3A_22 = arith.constant 256 : i32
    "tpu.region"() ({
      %run_scoped3A = tpu.sem_alloc : memref<!tpu.dma_semaphore, #tpu.memory_space<semaphore_mem>>
      %dma_start3A_26 = arith.constant 0 : i32
      %dma_start3A_27 = tpu.memref_slice %arg5[%mul3A_2, %dma_start3A_26] : memref<8192x32xf32, #tpu.memory_space<hbm>> -> memref<256x32xf32, #tpu.memory_space<hbm>>
      %dma_start3A_28 = arith.constant 0 : i32
      %dma_start3A_29 = tpu.memref_slice %arg5[%mul3A_2, %dma_start3A_28] : memref<8192x32xf32, #tpu.memory_space<hbm>> -> memref<256x32xf32, #tpu.memory_space<hbm>>
      tpu.enqueue_dma source(%arg8 : memref<256x32xf32, #tpu.memory_space<vmem>>) target(%dma_start3A_29 : memref<256x32xf32, #tpu.memory_space<hbm>>) target_semaphore(%run_scoped3A : memref<!tpu.dma_semaphore, #tpu.memory_space<semaphore_mem>>)
      %dma_wait3A_30 = arith.constant 0 : i32
      %dma_wait3A_31 = tpu.memref_slice %arg5[%mul3A_2, %dma_wait3A_30] : memref<8192x32xf32, #tpu.memory_space<hbm>> -> memref<256x32xf32, #tpu.memory_space<hbm>>
      %dma_wait3A_32 = arith.constant 0 : i32
      %dma_wait3A_33 = tpu.memref_slice %arg5[%mul3A_2, %dma_wait3A_32] : memref<8192x32xf32, #tpu.memory_space<hbm>> -> memref<256x32xf32, #tpu.memory_space<hbm>>
      tpu.wait_dma2 semaphore(%run_scoped3A : memref<!tpu.dma_semaphore, #tpu.memory_space<semaphore_mem>>) src(%arg8 : memref<256x32xf32, #tpu.memory_space<vmem>>) dst(%dma_wait3A_33 : memref<256x32xf32, #tpu.memory_space<hbm>>)
      tpu.yield
    }) : () -> ()
    %barrier3A_23 = arith.constant 0 : index
    tpu.barrier barrier_id(%barrier3A_23)
    %eq3A = arith.constant 0 : i32
    %eq3A_24 = arith.cmpi eq, %arg1, %eq3A : i32
    %convert_element_type3A = arith.extui %eq3A_24 : i1 to i32
    %cond3A = arith.constant 0 : i32
    %cond3A_25 = arith.cmpi ne, %convert_element_type3A, %cond3A : i32
    scf.if %cond3A_25 {
      "tpu.region"() ({
        %run_scoped3A = tpu.sem_alloc : memref<!tpu.dma_semaphore, #tpu.memory_space<semaphore_mem>>
        %dma_start3A_26 = arith.constant 0 : i32
        %dma_start3A_27 = tpu.memref_slice %arg6[%arg0, %dma_start3A_26] : memref<2x8192xf32, #tpu.memory_space<hbm>> -> memref<1x8192xf32, #tpu.memory_space<hbm>>
        %dma_start3A_28 = tpu.memref_squeeze %dma_start3A_27 : memref<1x8192xf32, #tpu.memory_space<hbm>> -> memref<8192xf32, #tpu.memory_space<hbm>>
        tpu.enqueue_dma source(%arg12 : memref<8192xf32, #tpu.memory_space<vmem_shared>>) target(%dma_start3A_28 : memref<8192xf32, #tpu.memory_space<hbm>>) target_semaphore(%run_scoped3A : memref<!tpu.dma_semaphore, #tpu.memory_space<semaphore_mem>>)
        %dma_wait3A_29 = arith.constant 0 : i32
        %dma_wait3A_30 = tpu.memref_slice %arg6[%arg0, %dma_wait3A_29] : memref<2x8192xf32, #tpu.memory_space<hbm>> -> memref<1x8192xf32, #tpu.memory_space<hbm>>
        %dma_wait3A_31 = tpu.memref_squeeze %dma_wait3A_30 : memref<1x8192xf32, #tpu.memory_space<hbm>> -> memref<8192xf32, #tpu.memory_space<hbm>>
        tpu.wait_dma2 semaphore(%run_scoped3A : memref<!tpu.dma_semaphore, #tpu.memory_space<semaphore_mem>>) src(%arg12 : memref<8192xf32, #tpu.memory_space<vmem_shared>>) dst(%dma_wait3A_31 : memref<8192xf32, #tpu.memory_space<hbm>>)
        tpu.yield
      }) : () -> ()
    } else {
    }
    return
  }
}

module attributes {stable_mosaic.version = 14 : i64} {
  func.func @_argmin_body(%arg0: i32, %arg1: i32, %arg2: memref<512x32xf32, #tpu.memory_space<vmem>>, %arg3: memref<8192x32xf32, #tpu.memory_space<vmem>>, %arg4: memref<512x1xi32, #tpu.memory_space<vmem>>, %arg5: memref<1x1xf32, #tpu.memory_space<smem>>, %arg6: memref<512x1xf32, #tpu.memory_space<vmem>>) attributes {dimension_semantics = [#tpu.dimension_semantics<arbitrary>, #tpu.dimension_semantics<arbitrary>], iteration_bounds = array<i64: 16, 1>, scalar_prefetch = 0 : i64, scratch_operands = 1 : i64, tpu.core_type = #tpu.core_type<tc>, window_params = [{transform_indices = @transform_0, window_bounds = array<i64: 512, 32>}, {transform_indices = @transform_1, window_bounds = array<i64: 8192, 32>}, {transform_indices = @transform_2, window_bounds = array<i64: 512, 1>}, {transform_indices = @transform_3, window_bounds = array<i64: 1, 1>}]} {
    %get3A = arith.constant 0 : index
    %get3A_0 = arith.constant 0 : index
    %get3A_1 = vector.load %arg2[%get3A, %get3A_0] : memref<512x32xf32, #tpu.memory_space<vmem>>, vector<512x32xf32>
    %get3A_2 = arith.constant 0 : index
    %get3A_3 = arith.constant 0 : index
    %get3A_4 = vector.load %arg3[%get3A_2, %get3A_3] : memref<8192x32xf32, #tpu.memory_space<vmem>>, vector<8192x32xf32>
    %mul3A = arith.mulf %get3A_1, %get3A_1 : vector<512x32xf32>
    %reduce_sum3A = arith.constant dense<0.000000e+00> : vector<512xf32>
    %reduce_sum3A_5 = vector.multi_reduction <add>, %mul3A, %reduce_sum3A [1] : vector<512x32xf32> to vector<512xf32>
    %broadcast_in_dim3A = vector.shape_cast %reduce_sum3A_5 : vector<512xf32> to vector<512x1xf32>
    %mul3A_6 = arith.mulf %get3A_4, %get3A_4 : vector<8192x32xf32>
    %reduce_sum3A_7 = arith.constant dense<0.000000e+00> : vector<8192xf32>
    %reduce_sum3A_8 = vector.multi_reduction <add>, %mul3A_6, %reduce_sum3A_7 [1] : vector<8192x32xf32> to vector<8192xf32>
    %mul3A_9 = arith.constant 2.500000e-01 : f32
    %mul3A_10 = vector.broadcast %mul3A_9 : f32 to vector<8192xf32>
    %mul3A_11 = arith.mulf %reduce_sum3A_8, %mul3A_10 : vector<8192xf32>
    %dot_general3A = arith.constant dense<0.000000e+00> : vector<512x8192xf32>
    %dot_general3A_12 = tpu.matmul %get3A_1, %get3A_4, %dot_general3A {dimension_numbers = #tpu.dot_dimension_numbers<[1], [1], [0], [0], [0, 0, 1, 0], [], []>, transpose_lhs_hint = false} : vector<512x32xf32>, vector<8192x32xf32>, vector<512x8192xf32> -> vector<512x8192xf32>
    %broadcast_in_dim3A_13 = vector.shape_cast %mul3A_11 : vector<8192xf32> to vector<1x8192xf32>
    %add3A = vector.broadcast %broadcast_in_dim3A : vector<512x1xf32> to vector<512x8192xf32>
    %add3A_14 = vector.broadcast %broadcast_in_dim3A_13 : vector<1x8192xf32> to vector<512x8192xf32>
    %add3A_15 = arith.addf %add3A, %add3A_14 : vector<512x8192xf32>
    %add3A_16 = arith.addf %add3A_15, %dot_general3A_12 : vector<512x8192xf32>
    %reduce_min3A = arith.constant dense<0x7F800000> : vector<512xf32>
    %reduce_min3A_17 = vector.multi_reduction <minimumf>, %add3A_16, %reduce_min3A [1] : vector<512x8192xf32> to vector<512xf32>
    %broadcast_in_dim3A_18 = vector.shape_cast %reduce_min3A_17 : vector<512xf32> to vector<512x1xf32>
    %iota3A = tpu.iota {dimensions = array<i32: 1>} : vector<512x8192xi32>
    %eq3A = vector.broadcast %broadcast_in_dim3A_18 : vector<512x1xf32> to vector<512x8192xf32>
    %eq3A_19 = arith.cmpf oeq, %add3A_16, %eq3A : vector<512x8192xf32>
    %jit3A = arith.constant 1073741824 : i32
    %broadcast_in_dim3A_20 = vector.broadcast %jit3A : i32 to vector<512x8192xi32>
    %select_n3A = arith.select %eq3A_19, %iota3A, %broadcast_in_dim3A_20 : vector<512x8192xi1>, vector<512x8192xi32>
    %reduce_min3A_21 = arith.constant dense<2147483647> : vector<512xi32>
    %reduce_min3A_22 = vector.multi_reduction <minsi>, %select_n3A, %reduce_min3A_21 [1] : vector<512x8192xi32> to vector<512xi32>
    %broadcast_in_dim3A_23 = vector.shape_cast %reduce_min3A_22 : vector<512xi32> to vector<512x1xi32>
    %mul3A_24 = arith.constant 8192 : i32
    %mul3A_25 = arith.muli %arg1, %mul3A_24 : i32
    %add3A_26 = vector.broadcast %mul3A_25 : i32 to vector<512x1xi32>
    %add3A_27 = arith.addi %broadcast_in_dim3A_23, %add3A_26 : vector<512x1xi32>
    %eq3A_28 = arith.constant 0 : i32
    %eq3A_29 = arith.cmpi eq, %arg1, %eq3A_28 : i32
    %convert_element_type3A = arith.extui %eq3A_29 : i1 to i32
    %cond3A = arith.constant 0 : i32
    %cond3A_30 = arith.cmpi ne, %convert_element_type3A, %cond3A : i32
    scf.if %cond3A_30 {
      %swap3A = arith.constant 0 : index
      %swap3A_47 = arith.constant 0 : index
      %swap3A_48 = vector.load %arg6[%swap3A, %swap3A_47] : memref<512x1xf32, #tpu.memory_space<vmem>>, vector<512x1xf32>
      tpu.vector_store %arg6[%swap3A, %swap3A_47], %broadcast_in_dim3A_18 {strides = array<i32>} : memref<512x1xf32, #tpu.memory_space<vmem>>, vector<512x1xf32>,
      %swap3A_49 = arith.constant 0 : index
      %swap3A_50 = arith.constant 0 : index
      %swap3A_51 = vector.load %arg4[%swap3A_49, %swap3A_50] : memref<512x1xi32, #tpu.memory_space<vmem>>, vector<512x1xi32>
      tpu.vector_store %arg4[%swap3A_49, %swap3A_50], %add3A_27 {strides = array<i32>} : memref<512x1xi32, #tpu.memory_space<vmem>>, vector<512x1xi32>,
    } else {
    }
    %gt3A = arith.constant 0 : i32
    %gt3A_31 = arith.cmpi sgt, %arg1, %gt3A : i32
    %convert_element_type3A_32 = arith.extui %gt3A_31 : i1 to i32
    %cond3A_33 = arith.constant 0 : i32
    %cond3A_34 = arith.cmpi ne, %convert_element_type3A_32, %cond3A_33 : i32
    scf.if %cond3A_34 {
      %get3A_47 = arith.constant 0 : index
      %get3A_48 = arith.constant 0 : index
      %get3A_49 = vector.load %arg6[%get3A_47, %get3A_48] : memref<512x1xf32, #tpu.memory_space<vmem>>, vector<512x1xf32>
      %lt3A = arith.cmpf olt, %broadcast_in_dim3A_18, %get3A_49 : vector<512x1xf32>
      %get3A_50 = arith.constant 0 : index
      %get3A_51 = arith.constant 0 : index
      %get3A_52 = vector.load %arg6[%get3A_50, %get3A_51] : memref<512x1xf32, #tpu.memory_space<vmem>>, vector<512x1xf32>
      %select_n3A_53 = arith.select %lt3A, %broadcast_in_dim3A_18, %get3A_52 : vector<512x1xi1>, vector<512x1xf32>
      %swap3A = arith.constant 0 : index
      %swap3A_54 = arith.constant 0 : index
      %swap3A_55 = vector.load %arg6[%swap3A, %swap3A_54] : memref<512x1xf32, #tpu.memory_space<vmem>>, vector<512x1xf32>
      tpu.vector_store %arg6[%swap3A, %swap3A_54], %select_n3A_53 {strides = array<i32>} : memref<512x1xf32, #tpu.memory_space<vmem>>, vector<512x1xf32>,
      %get3A_56 = arith.constant 0 : index
      %get3A_57 = arith.constant 0 : index
      %get3A_58 = vector.load %arg4[%get3A_56, %get3A_57] : memref<512x1xi32, #tpu.memory_space<vmem>>, vector<512x1xi32>
      %select_n3A_59 = arith.select %lt3A, %add3A_27, %get3A_58 : vector<512x1xi1>, vector<512x1xi32>
      %swap3A_60 = arith.constant 0 : index
      %swap3A_61 = arith.constant 0 : index
      %swap3A_62 = vector.load %arg4[%swap3A_60, %swap3A_61] : memref<512x1xi32, #tpu.memory_space<vmem>>, vector<512x1xi32>
      tpu.vector_store %arg4[%swap3A_60, %swap3A_61], %select_n3A_59 {strides = array<i32>} : memref<512x1xi32, #tpu.memory_space<vmem>>, vector<512x1xi32>,
    } else {
    }
    %eq3A_35 = arith.constant 0 : i32
    %eq3A_36 = arith.cmpi eq, %arg0, %eq3A_35 : i32
    %eq3A_37 = arith.constant 0 : i32
    %eq3A_38 = arith.cmpi eq, %arg1, %eq3A_37 : i32
    %and3A = arith.andi %eq3A_36, %eq3A_38 : i1
    %convert_element_type3A_39 = arith.extui %and3A : i1 to i32
    %cond3A_40 = arith.constant 0 : i32
    %cond3A_41 = arith.cmpi ne, %convert_element_type3A_39, %cond3A_40 : i32
    scf.if %cond3A_41 {
      %swap3A = arith.constant 0.000000e+00 : f32
      %swap3A_47 = arith.constant 0 : index
      %swap3A_48 = arith.constant 0 : index
      %swap3A_49 = memref.load %arg5[%swap3A_47, %swap3A_48] : memref<1x1xf32, #tpu.memory_space<smem>>
      memref.store %swap3A, %arg5[%swap3A_47, %swap3A_48] : memref<1x1xf32, #tpu.memory_space<smem>>
    } else {
    }
    %eq3A_42 = arith.constant 0 : i32
    %eq3A_43 = arith.cmpi eq, %arg1, %eq3A_42 : i32
    %convert_element_type3A_44 = arith.extui %eq3A_43 : i1 to i32
    %cond3A_45 = arith.constant 0 : i32
    %cond3A_46 = arith.cmpi ne, %convert_element_type3A_44, %cond3A_45 : i32
    scf.if %cond3A_46 {
      %get3A_47 = arith.constant 0 : index
      %get3A_48 = arith.constant 0 : index
      %get3A_49 = memref.load %arg5[%get3A_47, %get3A_48] : memref<1x1xf32, #tpu.memory_space<smem>>
      %get3A_50 = arith.constant 0 : index
      %get3A_51 = arith.constant 0 : index
      %get3A_52 = vector.load %arg6[%get3A_50, %get3A_51] : memref<512x1xf32, #tpu.memory_space<vmem>>, vector<512x1xf32>
      %reduce_sum3A_53 = vector.shape_cast %get3A_52 : vector<512x1xf32> to vector<1x512x1xf32>
      %reduce_sum3A_54 = arith.constant dense<0.000000e+00> : vector<1xf32>
      %reduce_sum3A_55 = vector.multi_reduction <add>, %reduce_sum3A_53, %reduce_sum3A_54 [1, 2] : vector<1x512x1xf32> to vector<1xf32>
      %reduce_sum3A_56 = vector.shape_cast %reduce_sum3A_55 : vector<1xf32> to vector<1x1x1xf32>
      %reduce_sum3A_57 = vector.extract %reduce_sum3A_56[0, 0, 0] : f32 from vector<1x1x1xf32>
      %add3A_58 = arith.addf %get3A_49, %reduce_sum3A_57 : f32
      %swap3A = arith.constant 0 : index
      %swap3A_59 = arith.constant 0 : index
      %swap3A_60 = memref.load %arg5[%swap3A, %swap3A_59] : memref<1x1xf32, #tpu.memory_space<smem>>
      memref.store %add3A_58, %arg5[%swap3A, %swap3A_59] : memref<1x1xf32, #tpu.memory_space<smem>>
    } else {
    }
    return
  }
  func.func @transform_0(%arg0: i32, %arg1: i32) -> (i32, i32) {
    %c0_i32 = arith.constant 0 : i32
    %c0_i32_0 = arith.constant 0 : i32
    return %arg0, %c0_i32 : i32, i32
  }
  func.func @transform_1(%arg0: i32, %arg1: i32) -> (i32, i32) {
    %c0_i32 = arith.constant 0 : i32
    %c0_i32_0 = arith.constant 0 : i32
    return %arg1, %c0_i32 : i32, i32
  }
  func.func @transform_2(%arg0: i32, %arg1: i32) -> (i32, i32) {
    %c0_i32 = arith.constant 0 : i32
    %c0_i32_0 = arith.constant 0 : i32
    return %arg0, %c0_i32 : i32, i32
  }
  func.func @transform_3(%arg0: i32, %arg1: i32) -> (i32, i32) {
    %c0_i32 = arith.constant 0 : i32
    %c0_i32_0 = arith.constant 0 : i32
    %c0_i32_1 = arith.constant 0 : i32
    return %c0_i32, %c0_i32_0 : i32, i32
  }
}

module attributes {stable_mosaic.version = 14 : i64} {
  func.func @_finalize_body(%arg0: memref<2x8192xf32, #tpu.memory_space<vmem>>, %arg1: memref<1x1xf32, #tpu.memory_space<smem>>, %arg2: memref<1x1xf32, #tpu.memory_space<smem>>, %arg3: memref<1x1xf32, #tpu.memory_space<smem>>) attributes {dimension_semantics = [], scalar_prefetch = 0 : i64, scratch_operands = 0 : i64, tpu.core_type = #tpu.core_type<tc>} {
    %get3A = arith.constant 0 : index
    %get3A_0 = arith.constant 0 : index
    %get3A_1 = vector.load %arg0[%get3A, %get3A_0] : memref<2x8192xf32, #tpu.memory_space<vmem>>, vector<1x8192xf32>
    %get3A_2 = vector.shape_cast %get3A_1 : vector<1x8192xf32> to vector<8192xf32>
    %get3A_3 = arith.constant 1 : index
    %get3A_4 = arith.constant 0 : index
    %get3A_5 = vector.load %arg0[%get3A_3, %get3A_4] : memref<2x8192xf32, #tpu.memory_space<vmem>>, vector<1x8192xf32>
    %get3A_6 = vector.shape_cast %get3A_5 : vector<1x8192xf32> to vector<8192xf32>
    %add3A = arith.addf %get3A_2, %get3A_6 : vector<8192xf32>
    %mul3A = arith.constant 1.22070313E-4 : f32
    %mul3A_7 = vector.broadcast %mul3A : f32 to vector<8192xf32>
    %mul3A_8 = arith.mulf %add3A, %mul3A_7 : vector<8192xf32>
    %add3A_9 = arith.constant 1.000000e-10 : f32
    %add3A_10 = vector.broadcast %add3A_9 : f32 to vector<8192xf32>
    %add3A_11 = arith.addf %mul3A_8, %add3A_10 : vector<8192xf32>
    %log3A = math.log %add3A_11 : vector<8192xf32>
    %mul3A_12 = arith.mulf %mul3A_8, %log3A : vector<8192xf32>
    %reduce_sum3A = vector.shape_cast %mul3A_12 : vector<8192xf32> to vector<1x8192xf32>
    %reduce_sum3A_13 = arith.constant dense<0.000000e+00> : vector<1xf32>
    %reduce_sum3A_14 = vector.multi_reduction <add>, %reduce_sum3A, %reduce_sum3A_13 [1] : vector<1x8192xf32> to vector<1xf32>
    %reduce_sum3A_15 = vector.shape_cast %reduce_sum3A_14 : vector<1xf32> to vector<1x1xf32>
    %reduce_sum3A_16 = vector.extract %reduce_sum3A_15[0, 0] : f32 from vector<1x1xf32>
    %neg3A = arith.constant 0.000000e+00 : f32
    %neg3A_17 = arith.subf %neg3A, %reduce_sum3A_16 : f32
    %exp3A = math.exp %neg3A_17 : f32
    %swap3A = arith.constant 0 : index
    %swap3A_18 = arith.constant 0 : index
    %swap3A_19 = memref.load %arg3[%swap3A, %swap3A_18] : memref<1x1xf32, #tpu.memory_space<smem>>
    memref.store %exp3A, %arg3[%swap3A, %swap3A_18] : memref<1x1xf32, #tpu.memory_space<smem>>
    %get3A_20 = arith.constant 0 : index
    %get3A_21 = arith.constant 0 : index
    %get3A_22 = memref.load %arg1[%get3A_20, %get3A_21] : memref<1x1xf32, #tpu.memory_space<smem>>
    %mul3A_23 = arith.constant 4.76837158E-6 : f32
    %mul3A_24 = arith.mulf %get3A_22, %mul3A_23 : f32
    %swap3A_25 = arith.constant 0 : index
    %swap3A_26 = arith.constant 0 : index
    %swap3A_27 = memref.load %arg2[%swap3A_25, %swap3A_26] : memref<1x1xf32, #tpu.memory_space<smem>>
    memref.store %mul3A_24, %arg2[%swap3A_25, %swap3A_26] : memref<1x1xf32, #tpu.memory_space<smem>>
    return
  }
}

</mosaic_0001>

<sc_bundles>
// kernel: kernel.5.cloned.1.call-start
scs
__scs_entry_jumppad:
0x0: {  	(pc) =	sbr.rel $0x88, $3  }
0x1: {  	(tag) =	ssettag $0x0;
	lr =	simm.s32 $0x1  }
0x2: {  	[smem:$0x3F9F] =	sst lr;
	_ =	strace $0xD0000000  }
0x3: {  	_ = 	snop  }
0x4: {  	_ = 	snop  }
0x5: {  	_ = 	snop  }
0x6: {  	_ = 	snop  }
0x7: {  	_ = 	snop  }
__scs_overlays_trampoline_lowered:
0x8: {  	[smem:$0x3FAE] =	sst s0  }
0x9: {  	[smem:$0x3FAF] =	sst s1  }
0xa: {  	[smem:$0x3FB0] =	sst s2  }
0xb: {  	[smem:$0x3FB1] =	sst s3  }
0xc: {  	[smem:$0x3FB2] =	sst s4  }
0xd: {  	[smem:$0x3FB3] =	sst s5  }
0xe: {  	[smem:$0x3FB4] =	sst s6  }
0xf: {  	[smem:$0x3FB5] =	sst s7  }
0x10: {  	[smem:$0x3FB6] =	sst s8  }
0x11: {  	[smem:$0x3FB7] =	sst s9;
	s0 =	simm.s32 @!p0 $0x0  }
0x12: {  	s1 =	sld [smem:$0x3F9D];
	s0 =	simm.s32 @p0 $0x1  }
0x13: {  	[smem:$0x3FB8] =	sst s0;
	s0 =	simm.s32 @!p1 $0x0  }
0x14: {  	s2 =	sld [smem:$0x3F9C];
	s0 =	simm.s32 @p1 $0x1  }
0x15: {  	[smem:$0x3FB9] =	sst s0;
	s0 =	simm.s32 @!p2 $0x0  }
0x16: {  	s3 =	sld [smem:$0x3FDB];
	s0 =	simm.s32 @p2 $0x1  }
0x17: {  	s4 =	simm.s32 $0x1BF5;
	[smem:$0x3FBB] =	sst s0  }
0x18: {  	s0 =	sld [smem:$0x3F9E];
	_ =	swait.ge [sflag:s4], $0x0  }
0x19: {  	s7 =	sld [smem:$0x3F9F]  }
0x1a: {  	s8 =	sadd.s32 $0xFFFFE003, lr  }
0x1b: {  	s9 =	sadd.s32 $0xFFFFFEF7, lr;
	s5 =	simm.s32 $0xFFFFFFFF;
	p2 =	slt.u32 s8, $0xFFFFF086  }
0x1c: {  	p1 =	slt.u32 s9, $0xF7A;
	s5 =	simm.s32 @!p2 $0x0  }
0x1d: {  	s5 =	simm.s32 @p1 $0x1;
	p0 =	seq.s32 s7, s2  }
0x1e: {  	s7 =	smul.u32 @!p0 $0xF7A, s2;
	p2 =	seq.s32 @!p0 s5, $0x0  }
0x1f: {  	s9 =	smul.u32 $0xF7A, s1;
	s8 =	simm.s32 @!p0 $0x1BF5;
	p2 =	por !p2, p0  }
0x20: {  	[sflag:s8] =	ssyncset.s32 @!p0 $0xFFFFF086;
	s6 =	sadd.s32 @!p0 s3, s7;
	s7 =	simm.s32 @!p0 $0x108  }
0x21: {  	s3 =	sadd.s32 s3, s9;
	s6 =	sadd.s32 @!p0 $0x88, s6;
	s7 =	simm.s32 @p2 $0x1082  }
0x22: {  	[simem:s7], [sflag:s8] =	dma.local @!p0 [hbm:s6], $0xF7A  }
0x23: {  	s9 =	sor.u32 $0xD0000000, s2;
	s6 =	simm.s32 $0x108;
	_ =	swait.ge @!p0 [sflag:s8], $0x0  }
0x24: {  	s3 =	sadd.s32 $0x88, s3;
	s6 =	simm.s32 @!p1 $0x1082;
	[sflag:s4] =	ssyncset.s32 $0xFFFFF086  }
0x25: {  	[simem:s6], [sflag:s4] =	dma.local [hbm:s3], $0xF7A  }
0x26: {  	[smem:$0x3F9F] =	sst s1;
	(tag) =	ssettag s2;
	_ =	strace s9  }
0x27: {  	s1 =	sld [smem:$0x3FAF]  }
0x28: {  	s2 =	sld [smem:$0x3FB0]  }
0x29: {  	s4 =	sld [smem:$0x3FB2]  }
0x2a: {  	p0 =	seq.s32 s5, $0x0;
	s5 =	sld [smem:$0x3FB3]  }
0x2b: {  	s6 =	sld [smem:$0x3FB4]  }
0x2c: {  	s7 =	sld [smem:$0x3FB5]  }
0x2d: {  	s3 =	simm.s32 $0x108;
	s8 =	sld [smem:$0x3FB6]  }
0x2e: {  	s3 =	simm.s32 @!p0 $0x1082;
	s9 =	sld [smem:$0x3FB7]  }
0x2f: {  	lr =	sadd.s32 s0, s3;
	s0 =	sld [smem:$0x3FAE]  }
0x30: {  	s3 =	sld [smem:$0x3FB1]  }
0x31: {  	[smem:$0x3FBA] =	sst s10  }
0x32: {  	s10 =	sld [smem:$0x3FB8];
	_ =	sdelay $0x3  }
0x33: {  	p0 =	seq.s32 s10, $0x1;
	s10 =	sld [smem:$0x3FBA];
	_ =	sdelay $0x3  }
0x34: {  	[smem:$0x3FBA] =	sst s10  }
0x35: {  	s10 =	sld [smem:$0x3FB9];
	_ =	sdelay $0x3  }
0x36: {  	p1 =	seq.s32 s10, $0x1;
	s10 =	sld [smem:$0x3FBA];
	_ =	sdelay $0x3  }
0x37: {  	[smem:$0x3FBA] =	sst s10  }
0x38: {  	s10 =	sld [smem:$0x3FBB]  }
0x39: {  	_ = 	snop;
	(pc) =	sbr.ind lr, $3  }
0x3a: {  	_ = 	snop  }
0x3b: {  	_ = 	snop  }
0x3c: {  	p2 =	seq.s32 s10, $0x1;
	s10 =	sld [smem:$0x3FBA]  }
0x3d: {  	_ =	shalt  }
0x3e: {  	_ =	shalt  }
0x3f: {  	_ =	shalt  }
0x40: {  	_ =	shalt  }
0x41: {  	_ =	shalt  }
0x42: {  	_ =	shalt  }
0x43: {  	_ =	shalt  }
0x44: {  	_ =	shalt  }
0x45: {  	_ =	shalt  }
0x46: {  	_ =	shalt  }
0x47: {  	_ =	shalt  }
0x48: {  	_ =	shalt  }
0x49: {  	_ =	shalt  }
0x4a: {  	_ =	shalt  }
0x4b: {  	_ =	shalt  }
0x4c: {  	_ =	shalt  }
0x4d: {  	_ =	shalt  }
0x4e: {  	_ =	shalt  }
0x4f: {  	_ =	shalt  }
0x50: {  	_ =	shalt  }
0x51: {  	_ =	shalt  }
0x52: {  	_ =	shalt  }
0x53: {  	_ =	shalt  }
0x54: {  	_ =	shalt  }
0x55: {  	_ =	shalt  }
0x56: {  	_ =	shalt  }
0x57: {  	_ =	shalt  }
0x58: {  	_ =	shalt  }
0x59: {  	_ =	shalt  }
0x5a: {  	_ =	shalt  }
0x5b: {  	_ =	shalt  }
0x5c: {  	_ =	shalt  }
0x5d: {  	_ =	shalt  }
0x5e: {  	_ =	shalt  }
0x5f: {  	_ =	shalt  }
0x60: {  	_ =	shalt  }
0x61: {  	_ =	shalt  }
0x62: {  	_ =	shalt  }
0x63: {  	_ =	shalt  }
0x64: {  	_ =	shalt  }
0x65: {  	_ =	shalt  }
0x66: {  	_ =	shalt  }
0x67: {  	_ =	shalt  }
0x68: {  	_ =	shalt  }
0x69: {  	_ =	shalt  }
0x6a: {  	_ =	shalt  }
0x6b: {  	_ =	shalt  }
0x6c: {  	_ =	shalt  }
0x6d: {  	_ =	shalt  }
0x6e: {  	_ =	shalt  }
0x6f: {  	_ =	shalt  }
0x70: {  	_ =	shalt  }
0x71: {  	_ =	shalt  }
0x72: {  	_ =	shalt  }
0x73: {  	_ =	shalt  }
0x74: {  	_ =	shalt  }
0x75: {  	_ =	shalt  }
0x76: {  	_ =	shalt  }
0x77: {  	_ =	shalt  }
0x78: {  	_ =	shalt  }
0x79: {  	_ =	shalt  }
0x7a: {  	_ =	shalt  }
0x7b: {  	_ =	shalt  }
0x7c: {  	_ =	shalt  }
0x7d: {  	_ =	shalt  }
0x7e: {  	_ =	shalt  }
0x7f: {  	_ =	shalt  }
0x80: {  	_ =	shalt  }
0x81: {  	_ =	shalt  }
0x82: {  	_ =	shalt  }
0x83: {  	_ =	shalt  }
0x84: {  	_ =	shalt  }
0x85: {  	_ =	shalt  }
0x86: {  	_ =	shalt  }
0x87: {  	_ =	shalt  }
.Lfunc_end0:
.L_simem_size_0:
called_computation_lowered:
.L_overlay_start_0:
0x88: {  	s2 =	sld [smem:$0x3FD9]  }
0x89: {  	s3 =	sld [smem:$0x3FFE];
	_ =	sdelay $0x1  }
0x8a: {  	s1 =	srdreg.scid  }
0x8b: {  	s0 =	sand.u32 $0x1, s1  }
0x8c: {  	s14 =	sshll.u32 s0, $0xA;
	s2 =	sadd.s32 s3, s2  }
0x8d: {  	s2 =	sadd.s32 s2, s14  }
0x8e: {  	[smem:$0x3FC6] =	sst s2  }
0x8f: {  	_ = 	snop  }
0x90: {  	s2 =	sld [smem:$0x3FD0];
	_ =	sdelay $0x2  }
0x91: {  	s15 =	simm.s32 $0xA;
	s4 =	simm.s32 $0x10  }
0x92: {  	[smem:s4], [sflag:s15] =	dma.local [hbm:s2], $0x1  }
0x93: {  	_ =	swait.eq [sflag:s15], $0x1  }
0x94: {  	[sflag:s15] =	ssyncset.done $0x0  }
0x95: {  	[sflag:s15] =	ssyncadd.s32 $0xFFFFFFFF  }
0x96: {  	s16 =	sld [smem:$0x10];
	(tm) =	ssettm $0x1  }
0x97: {  	s17 =	sld [smem:$0x3FFB];
	_ =	sdelay $0x3  }
0x98: {  	_ =	strace s17  }
0x99: {  	s3 =	sld [smem:$0x3FFC];
	_ =	sdelay $0x3  }
0x9a: {  	_ =	strace s3  }
0x9b: {  	s3 =	sld [smem:$0x3FFD];
	_ =	sdelay $0x3  }
0x9c: {  	_ =	strace s3  }
0x9d: {  	_ =	strace $0x8FFFFFFF  }
0x9e: {  	s18 =	sld [smem:$0x3FDB];
	_ =	sdelay $0x1  }
0x9f: {  	s19 =	simm.s32 $_scs_section_size  }
0xa0: {  	s5 =	simm.s32 $_size__tile_overlayer_lowered;
	s6 =	simm.s32 $_tile_overlayer_lowered  }
0xa1: {  	s22 =	simm.s32 $0x1BFF;
	s21 =	sshll.u32 s6, $0x1;
	s3 =	sadd.s32 s19, s18  }
0xa2: {  	s7 =	simm.s32 $0x0;
	s20 =	sshll.u32 s5, $0x1;
	s5 =	sadd.s32 s21, s3  }
0xa3: {  	[timem:s7], [sflag:s22] =	dma.local [hbm:s5], s20  }
0xa4: {  	_ =	swait.ge [sflag:s22], s20  }
0xa5: {  	s4 =	ssub.s32 $0x0, s20;
	[sflag:s22] =	ssyncset.done $0x0  }
0xa6: {  	[sflag:s22] =	ssyncadd.s32 s4;
	_ =	sdelay $0x1  }
0xa7: {  	s23 =	simm.s32 $0x1B8B  }
0xa8: {  	_ =	swait.ge [sflag:s23], $0x1  }
0xa9: {  	[sflag:s23] =	ssyncset.done $0x0  }
0xaa: {  	s25 =	simm.s32 $0x1B8E;
	s24 =	sld [smem:$0x3FFE];
	[sflag:s23] =	ssyncadd.s32 $0xFFFFFFFF  }
0xab: {  	s26 =	simm.s32 $execute0_lowered;
	[smem:$0x3FD2] =	sst s25  }
0xac: {  	s5 =	sshll.u32 s26, $0x1;
	_ =	strace $0x80000046;
	[dreg:$0x1] =	wrdreg $0xFFFFFFFF  }
0xad: {  	s28 =	simm.s32 $_size_execute0_lowered;
	s3 =	sadd.s32 s3, s5;
	[dreg:$0x0] =	wrdreg $0x0  }
0xae: {  	s5 =	sshll.u32 s28, $0x1;
	[dreg:$0x2] =	wrdreg s3  }
0xaf: {  	[dreg:$0x3] =	wrdreg s5  }
0xb0: {  	[dreg:$0x4] =	wrdreg $0xC0  }
0xb1: {  	_ =	task [dreg:s7], $0x5FFFF  }
0xb2: {  	[dreg:$0x1] =	wrdreg $0xFFFFFFFF  }
0xb3: {  	[dreg:$0x0] =	wrdreg $0x60  }
0xb4: {  	[dreg:$0x2] =	wrdreg s16  }
0xb5: {  	[dreg:$0x3] =	wrdreg s24  }
0xb6: {  	[dreg:$0x4] =	wrdreg $0x44000  }
0xb7: {  	[dreg:$0x5] =	wrdreg $0x9  }
0xb8: {  	_ =	task.clear_ibuf [dreg:s7], $0x6FFFF;
	_ =	strace $0x90000046  }
0xb9: {  	s29 =	simm.s32 $0x9;
	_ =	strace $0x80000048  }
0xba: {  	_ =	swait.ge [sflag:s29], $0x1  }
0xbb: {  	[sflag:s29] =	ssyncadd.s32 $0xFFFFFFFF  }
0xbc: {  	_ =	strace $0x90000048  }
0xbd: {  	_ =	sfence  }
0xbe: {  	s30 =	sld [smem:$0x0];
	_ =	sdelay $0x2  }
0xbf: {  	s31 =	sshll.u32 s1, $0xD;
	s1 =	sshrl.u32 s1, $0x2  }
0xc0: {  	s3 =	sand.u32 $0x4000, s31;
	s1 =	sadd.s32 s1, s30  }
0xc1: {  	s0 =	sor.u32 s3, s0;
	s1 =	sshll.u32 s1, $0x11  }
0xc2: {  	s0 =	sor.u32 s1, s0  }
0xc3: {  	s0 =	sadd.s32 $0x8F2B, s0  }
0xc4: {  	[sflag:s0] =	ssyncadd.remote.s32 $0x1  }
0xc5: {  	_ =	sfence.sel $0xFFFF  }
0xc6: {  	[dreg:$0x0] =	wrdreg $0xFFFFFFFF;
	(pc) =	sbr.abs _section_cstart, $3  }
0xc7: {  	[dreg:$0x1] =	wrdreg $0xFFFFFFFF  }
0xc8: {  	_ =	task.clear_ibuf [dreg:s7], $0x2FFFF;
	_ =	strace $0x9FFFFFFF  }
0xc9: {  	(tm) =	ssettm $0x7FFFFFFF  }
tec
execute0_lowered:
.L_overlay_start_1:
0x0: {  	(tag) =	ssettag $0x1  }
0x1: {  	s0 =	rddreg [dreg:$0x0];
	s1 =	srdreg.scid  }
0x2: {  	s4 =	rddreg [dreg:$0x1];
	s15 =	stileid.u32  }
0x3: {  	s2 =	rddreg [dreg:$0x2];
	s3 =	simm.s32 $0x0;
	s12 =	simm.s32 $0x1  }
0x4: {  	s13 =	simm.s32 $0x2100;
	s14 =	simm.s32 $0x4200;
	s17 =	simm.s32 $0x0  }
0x5: {  	s5 =	sand.u32 $0x1, s1;
	s6 =	sshll.u32 s15, $0x9;
	s1 =	rddreg [dreg:$0x3]  }
0x6: {  	[smem:$0x7FF] =	sst s3;
	p0 =	sne.s32 s15, $0x0;
	s15 =	simm.s32 $0x4100  }
0x7: {  	s7 =	sshll.u32 s5, $0x8;
	_ =	strace $0x80000047;
	s9 =	ssub.s32 $0x2, s5  }
0x8: {  	s5 =	sshll.u32 s5, $0xA;
	s16 =	sshrl.u32 @!p0 s2, $0x3;
	s7 =	sor.u32 s7, s6  }
0x9: {  	s10 =	sshrl.u32 s9, $0x1;
	s11 =	sadd.s32 s5, s4;
	s6 =	sadd.s32 s6, s2  }
0xa: {  	s8 =	sshrl.u32 s7, $0x3;
	s7 =	sshll.u32 s7, $0x2;
	s9 =	ssub.s32 s9, s10  }
0xb: {  	s10 =	simm.s32 $0x2;
	s8 =	sadd.s32 s8, s4;
	s7 =	sadd.s32 s7, s4  }
0xc: {  	s9 =	smax.u32 s9, $0x1;
	s4 =	sadd.s32 $0x8C00, s8;
	s5 =	sadd.s32 $0xA00, s7  }
0xd: {  	v0 =	vimm.f32 $1.000000000e+00;
	v1 =	vimm.f32 $0.0e+00;
	s7 =	sadd.s32 $0x9800, s7;
	s8 =	sadd.s32 $0x9000, s11;
	s11 =	simm.s32 $0x100  }
.LBB2_1:
0xe: {  	[tilespmem:s3], [sflag:$0x2] =	stream.linear.gather [hbm4b:s4+s3], $0x100, $0x38;
	[tilespmem:$0x4600] =	vst v63  }
0xf: {  	_ =	swait.ge [sflag:s10], $0x100  }
0x10: {  	[sflag:s10] =	ssyncset.done $0x0  }
0x11: {  	[sflag:s10] =	ssyncadd.s32 $0xFFFFFF00  }
0x12: {  	[tilespmem:s11], [sflag:$0x1] =	stream.indirect.gather [hbm4b:s0+s11], $0x20, s3, s11, $0xb8;
	[tilespmem:$0x4600] =	vst v63  }
0x13: {  	_ =	swait.ge [sflag:s12], $0x2000  }
0x14: {  	[sflag:s12] =	ssyncset.done $0x0  }
0x15: {  	[sflag:s12] =	ssyncadd.s32 $0xFFFFE000  }
0x16: {  	[tilespmem:s13], [sflag:$0x2] =	stream.linear.gather [hbm4b:s5+s3], $0x2000, $0x38;
	[tilespmem:$0x4600] =	vst v63  }
0x17: {  	_ =	swait.ge [sflag:s10], $0x2000  }
0x18: {  	[sflag:s10] =	ssyncset.done $0x0  }
0x19: {  	[sflag:s10] =	ssyncadd.s32 $0xFFFFE000  }
0x1a: {  	[tilespmem:$0x4100] =	vst v0  }
0x1b: {  	[tilespmem:$0x4110] =	vst v0  }
0x1c: {  	[tilespmem:$0x4120] =	vst v0  }
0x1d: {  	[tilespmem:$0x4130] =	vst v0  }
0x1e: {  	[tilespmem:$0x4140] =	vst v0  }
0x1f: {  	[tilespmem:$0x4150] =	vst v0  }
0x20: {  	[tilespmem:$0x4160] =	vst v0  }
0x21: {  	[tilespmem:$0x4170] =	vst v0  }
0x22: {  	[tilespmem:$0x4180] =	vst v0  }
0x23: {  	[tilespmem:$0x4190] =	vst v0  }
0x24: {  	[tilespmem:$0x41A0] =	vst v0  }
0x25: {  	[tilespmem:$0x41B0] =	vst v0  }
0x26: {  	[tilespmem:$0x41C0] =	vst v0  }
0x27: {  	[tilespmem:$0x41D0] =	vst v0  }
0x28: {  	[tilespmem:$0x41E0] =	vst v0  }
0x29: {  	[tilespmem:$0x41F0] =	vst v0  }
0x2a: {  	[tilespmem:$0x4200] =	vst v1  }
0x2b: {  	[tilespmem:$0x4210] =	vst v1  }
0x2c: {  	[tilespmem:$0x4220] =	vst v1  }
0x2d: {  	[tilespmem:$0x4230] =	vst v1  }
0x2e: {  	[tilespmem:$0x4240] =	vst v1  }
0x2f: {  	[tilespmem:$0x4250] =	vst v1  }
0x30: {  	[tilespmem:$0x4260] =	vst v1  }
0x31: {  	[tilespmem:$0x4270] =	vst v1  }
0x32: {  	[tilespmem:$0x4280] =	vst v1  }
0x33: {  	[tilespmem:$0x4290] =	vst v1  }
0x34: {  	[tilespmem:$0x42A0] =	vst v1  }
0x35: {  	[tilespmem:$0x42B0] =	vst v1  }
0x36: {  	[tilespmem:$0x42C0] =	vst v1  }
0x37: {  	[tilespmem:$0x42D0] =	vst v1  }
0x38: {  	[tilespmem:$0x42E0] =	vst v1  }
0x39: {  	[tilespmem:$0x42F0] =	vst v1  }
0x3a: {  	[tilespmem:$0x4300] =	vst v1  }
0x3b: {  	[tilespmem:$0x4310] =	vst v1  }
0x3c: {  	[tilespmem:$0x4320] =	vst v1  }
0x3d: {  	[tilespmem:$0x4330] =	vst v1  }
0x3e: {  	[tilespmem:$0x4340] =	vst v1  }
0x3f: {  	[tilespmem:$0x4350] =	vst v1  }
0x40: {  	[tilespmem:$0x4360] =	vst v1  }
0x41: {  	[tilespmem:$0x4370] =	vst v1  }
0x42: {  	[tilespmem:$0x4380] =	vst v1  }
0x43: {  	[tilespmem:$0x4390] =	vst v1  }
0x44: {  	[tilespmem:$0x43A0] =	vst v1  }
0x45: {  	[tilespmem:$0x43B0] =	vst v1  }
0x46: {  	[tilespmem:$0x43C0] =	vst v1  }
0x47: {  	[tilespmem:$0x43D0] =	vst v1  }
0x48: {  	[tilespmem:$0x43E0] =	vst v1  }
0x49: {  	[tilespmem:$0x43F0] =	vst v1  }
0x4a: {  	[spmem:s6] =	stream.linear.scatter [tilespmem:s14], [sflag:$0x2], $0x200, $0x38;
	[tilespmem:$0x4600] =	vst v63  }
0x4b: {  	_ =	swait.ge [sflag:s10], $0x200  }
0x4c: {  	[sflag:s10] =	ssyncset.done $0x0  }
0x4d: {  	[sflag:s10] =	ssyncadd.s32 $0xFFFFFE00  }
0x4e: {  	[bflag:$0x0] =	sbarrier.arrive $0xFFFF  }
0x4f: {  	[spmem:s2] =	stream.indirect.scatter.add.f32 [tilespmem:s15], [sflag:$0x2], $0x1, s3, s11, $0xb8;
	[tilespmem:$0x4600] =	vst v63  }
0x50: {  	_ =	swait.ge [sflag:s10], $0x100  }
0x51: {  	[sflag:s10] =	ssyncset.done $0x0  }
0x52: {  	s18 =	simm.s32 $0x0;
	[sflag:s10] =	ssyncadd.s32 $0xFFFFFF00  }
0x53: {  	v2 =	vld [tilespmem:s18+$0x2100]  }
0x54: {  	v3 =	vld [tilespmem:s18+$0x2110]  }
0x55: {  	s19 =	simm.s32 $0x80;
	v4 =	vld [tilespmem:s18+$0x100]  }
.LBB2_2:
0x56: {  	p1 =	sne.s32 s19, $0x7F80;
	v5 =	vld [tilespmem:s18+$0x110];
	_ =	sdelay $0x3  }
0x57: {  	v4 =	vsub.f32 v4, v2  }
.Ltmp0:
0x58: {  	v5 =	vsub.f32 v5, v3;
	(pc) =	sbr.rel @p1 .LBB2_2-.Ltmp0, $4  }
0x59: {  	s20 =	sshra.s32 s19, $0x2;
	v4 =	vadd.f32 v4, v2  }
0x5a: {  	v2 =	vld [tilespmem:s20+$0x2100];
	v5 =	vadd.f32 v5, v3  }
0x5b: {  	v3 =	vld [tilespmem:s20+$0x2110];
	[tilespmem:s18+$0x100] =	vst v4  }
0x5c: {  	s19 =	sadd.s32 $0x80, s19;
	v4 =	vld [tilespmem:s20+$0x100];
	[tilespmem:s18+$0x110] =	vst v5;
	s18 =	smov.u32 s20  }
0x5d: {  	v5 =	vld [tilespmem:s18+$0x110];
	_ =	sdelay $0x3  }
0x5e: {  	v4 =	vsub.f32 v4, v2  }
0x5f: {  	v5 =	vsub.f32 v5, v3  }
0x60: {  	v2 =	vadd.f32 v4, v2  }
0x61: {  	v3 =	vadd.f32 v5, v3  }
0x62: {  	[tilespmem:s18+$0x100] =	vst v2  }
0x63: {  	[tilespmem:s18+$0x110] =	vst v3  }
0x64: {  	[hbm4b:s7+s3] =	stream.linear.scatter [tilespmem:s11], [sflag:$0x2], $0x2000, $0x38;
	[tilespmem:$0x4600] =	vst v63  }
0x65: {  	_ =	swait.ge [sflag:s10], $0x2000  }
0x66: {  	[sflag:s10] =	ssyncset.done $0x0  }
0x67: {  	s17 =	sadd.s32 $0x1, s17;
	[sflag:s10] =	ssyncadd.s32 $0xFFFFE000  }
0x68: {  	p1 =	sne.s32 s17, s9;
	s18 =	simm.s32 @!p0 $0x1C02;
	[bflag:$0x0] =	sbarrier.arrive $0xFFFF  }
0x69: {  	[hbm:s8], [sflag:s18] =	dma.local @!p0 [spmem:s16], $0x400  }
.Ltmp1:
0x6a: {  	_ = 	snop;
	(pc) =	sbr.rel @p1 .LBB2_1-.Ltmp1, $4  }
0x6b: {  	s18 =	simm.s32 @!p0 $0x2  }
0x6c: {  	_ =	swait.ge @!p0 [sflag:s18], $0x400  }
0x6d: {  	[sflag:s18] =	ssyncset.done @!p0 $0x0  }
0x6e: {  	[sflag:s18] =	ssyncadd.s32 @!p0 $0xFFFFFC00  }
0x6f: {  	_ =	sfence.sel $0x180000  }
0x70: {  	[bflag:$0x0] =	sbarrier.arrive $0xFFFF  }
0x71: {  	_ =	strace $0x90000047  }
0x72: {  	s0 =	sadd.s32 @!p0 $0x100000, s1;
	[bflag:$0x2] =	sbarrier.arrive $0xFFFF  }
0x73: {  	[sflag:s0] =	ssyncadd.tile.s32 @!p0 $0x1;
	_ =	shalt  }
.Lfunc_end2:
_tile_overlayer_lowered:
.L_overlay_start_2:
0x74: {  	(tag) =	ssettag $0x2  }
0x75: {  	s0 =	rddreg [dreg:$0x0];
	s2 =	stileid.u32  }
0x76: {  	s1 =	rddreg [dreg:$0x1];
	p0 =	sne.s32 s2, $0x0  }
0x77: {  	s3 =	rddreg [dreg:$0x2];
	[bflag:$0x3] =	sbarrier.arrive $0xFFFF;
	s2 =	simm.s32 @!p0 $0x1C02  }
0x78: {  	[timem:s3], [sflag:s2] =	dma.local @!p0 [hbm:s0], s1  }
0x79: {  	s0 =	simm.s32 @!p0 $0x2  }
0x7a: {  	_ =	swait.ge @!p0 [sflag:s0], s1  }
0x7b: {  	s1 =	ssub.s32 @!p0 $0x0, s1;
	[sflag:s0] =	ssyncset.done @!p0 $0x0  }
0x7c: {  	[sflag:s0] =	ssyncadd.s32 @!p0 s1  }
0x7d: {  	[bflag:$0x3] =	sbarrier.arrive $0xFFFF  }
0x7e: {  	_ =	shalt  }

</sc_bundles>
